<compile_context>
chip_gen: v7x
topology: tpu7x:2x2x1
jax: 0.10.2.dev20260603
libtpu: 0.0.44.dev20260713+nightly
codegen_flags: <defaults>
</compile_context>

<pallas_src>
import functools

import jax
import jax.numpy as jnp
from jax import lax
from jax.experimental import pallas as pl
from jax.experimental.pallas import tpu as pltpu
from jax.experimental.pallas import tpu_sc as plsc

B_DIM, L_DIM = 16384, 50
N_TOKENS = B_DIM * L_DIM
N_PAIRS = N_TOKENS // 2
EMBED = 64
HALF_B = B_DIM // 2

NC, NS = 2, 16
NW = NC * NS
ROWS_PER_W = N_TOKENS // NW
CHUNK = 800
NCHUNK = ROWS_PER_W // CHUNK


def _sc_gather(ids_flat, table):
    mesh = plsc.VectorSubcoreMesh(core_axis_name="c", subcore_axis_name="s")

    @functools.partial(
        pl.kernel,
        out_type=jax.ShapeDtypeStruct((N_TOKENS, EMBED), jnp.float32),
        mesh=mesh,
        compiler_params=pltpu.CompilerParams(use_tc_tiling_on_sc=False),
        scratch_types=[
            pltpu.VMEM((ROWS_PER_W,), jnp.int32),
            pltpu.VMEM((2, CHUNK, EMBED), jnp.float32),
            pltpu.SemaphoreType.DMA,
            pltpu.SemaphoreType.DMA,
            pltpu.SemaphoreType.DMA,
        ],
    )
    def gather_kernel(ids_hbm, table_hbm, out_hbm, idx_v, rows_v, sg0, sg1, sw):
        wid = lax.axis_index("s") * NC + lax.axis_index("c")
        base = wid * ROWS_PER_W
        pltpu.sync_copy(ids_hbm.at[pl.ds(pl.multiple_of(base, ROWS_PER_W), ROWS_PER_W)], idx_v)
        sems = (sg0, sg1)

        def gather_start(c, buf):
            pltpu.async_copy(
                table_hbm.at[idx_v.at[pl.ds(c * CHUNK, CHUNK)]],
                rows_v.at[buf], sems[buf])

        def gather_drain(buf):
            pltpu.make_async_copy(
                table_hbm.at[pl.ds(0, CHUNK)], rows_v.at[buf], sems[buf]).wait()

        def writeback_start(c, buf):
            cb = pl.multiple_of(base + c * CHUNK, CHUNK)
            pltpu.async_copy(rows_v.at[buf], out_hbm.at[pl.ds(cb, CHUNK)], sw)

        def writeback_drain(buf):
            pltpu.make_async_copy(
                table_hbm.at[pl.ds(0, CHUNK)], rows_v.at[buf], sw).wait()

        gather_start(0, 0)

        def body(c2, carry):
            for b in (0, 1):
                c = c2 * 2 + b
                gather_drain(b)

                @pl.when(c + 1 < NCHUNK)
                def _():
                    @pl.when(c >= 1)
                    def _():
                        writeback_drain(1 - b)
                    gather_start(c + 1, 1 - b)

                writeback_start(c, b)
            return carry

        lax.fori_loop(0, NCHUNK // 2, body, 0, unroll=False)
        writeback_drain(0)
        writeback_drain(1)

    return gather_kernel(ids_flat, table)




def _tc_combine_kernel(ce_ref, co_ref, g_ref, w_ref, ctbl_ref, out_ref):
    c_e = ce_ref[0, 0, :]
    c_o = co_ref[0, 0, :]
    iota = lax.broadcasted_iota(jnp.int32, (32, HALF_B), 0)
    sel = jnp.where((iota & 1) == 0, c_e[None, :], c_o[None, :])
    oh = ((iota >> 1) == sel).astype(jnp.float32)
    bias = lax.dot_general(ctbl_ref[...], oh,
                           (((1,), (0,)), ((), ())),
                           preferred_element_type=jnp.float32)
    res = lax.dot_general(w_ref[...], g_ref[...].astype(jnp.bfloat16),
                          (((1,), (1,)), ((), ())),
                          preferred_element_type=jnp.float32)
    t = jnp.tanh(res + bias)
    out_ref[0, :, 0:HALF_B] = t[0:EMBED, :]
    out_ref[0, :, HALF_B:B_DIM] = t[EMBED:2 * EMBED, :]


def _tc_combine(c_e, c_o, gathered, weo, ctbl):
    return pl.pallas_call(
        _tc_combine_kernel,
        grid=(L_DIM,),
        in_specs=[
            pl.BlockSpec((1, 1, HALF_B), lambda l: (l, 0, 0)),
            pl.BlockSpec((1, 1, HALF_B), lambda l: (l, 0, 0)),
            pl.BlockSpec((HALF_B, 2 * EMBED), lambda l: (l, 0)),
            pl.BlockSpec((2 * EMBED, 2 * EMBED), lambda l: (0, 0)),
            pl.BlockSpec((2 * EMBED, 32), lambda l: (0, 0)),
        ],
        out_specs=pl.BlockSpec((1, EMBED, B_DIM), lambda l: (l, 0, 0)),
        out_shape=jax.ShapeDtypeStruct((L_DIM, EMBED, B_DIM), jnp.float32),
    )(c_e, c_o, gathered, weo, ctbl)


def kernel(task_ids, difficulty, task_type, task_table, diff_table, type_table, W, b):
    tid3 = task_ids.T.astype(jnp.int32).reshape(L_DIM, 2, HALF_B)
    ids_perm = tid3.transpose(0, 2, 1).reshape(-1)

    dbias = diff_table @ W[:, EMBED:EMBED + 8].T
    tbias = type_table @ W[:, EMBED + 8:EMBED + 16].T
    ctbl9 = (dbias[:, None, :] + tbias[None, :, :] + b).reshape(9, EMBED)
    c4 = jnp.zeros((2, EMBED, 16, 2), jnp.float32)
    c4 = c4.at[0, :, :9, 0].set(ctbl9.T).at[1, :, :9, 1].set(ctbl9.T)
    ctbl2t = c4.reshape(2 * EMBED, 32)

    wt = W[:, :EMBED]
    zero = jnp.zeros((EMBED, EMBED), jnp.float32)
    weo = jnp.block([[wt, zero], [zero, wt]]).astype(jnp.bfloat16)

    combo_t = (difficulty.astype(jnp.int32) * 3
               + task_type.astype(jnp.int32)).T
    c_e = combo_t[:, :HALF_B].reshape(L_DIM, 1, HALF_B)
    c_o = combo_t[:, HALF_B:].reshape(L_DIM, 1, HALF_B)

    gathered = _sc_gather(ids_perm, task_table)
    gathered = gathered.reshape(N_PAIRS, 2 * EMBED)
    out_t = _tc_combine(c_e, c_o, gathered, weo, ctbl2t)
    return out_t.transpose(2, 0, 1)

# --- scband reference (transcript-rebuilt; emitter-appended) ---
"""Pipeline reference for scband-simplified-task-embedding-54503134986704 (READ-ONLY COPY).

The authoritative reference and input builder live on the scoring server;
editing this copy changes nothing except your own understanding.
"""

import jax, jax.numpy as jnp
import numpy as np

NUM_TASKS = 1000000
EMBED_DIM = 64
B, L = 16384, 50

def setup_inputs(seed: int = 0) -> dict:
    key = jax.random.key(seed)
    k1, k2, k3, k4, k5, k6, k7, k8 = jax.random.split(key, 8)
    task_ids = jax.random.randint(k1, (B, L), 0, NUM_TASKS, dtype=jnp.int64 if jax.config.jax_enable_x64 else jnp.int32)
    difficulty = jax.random.randint(k2, (B, L), 0, 3, dtype=jnp.int32)
    task_type = jax.random.randint(k3, (B, L), 0, 3, dtype=jnp.int32)
    task_table = jax.random.normal(k4, (NUM_TASKS, EMBED_DIM), dtype=jnp.float32)
    diff_table = jax.random.normal(k5, (3, 8), dtype=jnp.float32)
    type_table = jax.random.normal(k6, (3, 8), dtype=jnp.float32)
    # torch Linear(in=EMBED_DIM+16, out=EMBED_DIM): weight [out, in], bias [out]
    W = jax.random.normal(k7, (EMBED_DIM, EMBED_DIM + 16), dtype=jnp.float32) * (1.0 / np.sqrt(EMBED_DIM + 16))
    b = jax.random.normal(k8, (EMBED_DIM,), dtype=jnp.float32) * 0.01
    return {"task_ids": task_ids, "difficulty": difficulty, "task_type": task_type,
            "task_table": task_table, "diff_table": diff_table, "type_table": type_table,
            "W": W, "b": b}

def reference(task_ids, difficulty, task_type, task_table, diff_table, type_table, W, b):
    task_emb = jnp.take(task_table, task_ids, axis=0)          # [B, L, 64]
    diff_emb = jnp.take(diff_table, difficulty, axis=0)         # [B, L, 8]
    type_emb = jnp.take(type_table, task_type, axis=0)          # [B, L, 8]
    features = jnp.concatenate([diff_emb, type_emb], axis=-1)   # [B, L, 16]
    combined = jnp.concatenate([task_emb, features], axis=-1)   # [B, L, 80]
    out = jnp.tanh(jnp.einsum('blk,ok->blo', combined, W) + b)  # [B, L, 64]
    return out

if __name__ == "__main__":
    import jax
    _d = setup_inputs()
    print(jax.jit(kernel)(*tuple(_d.values())))

</pallas_src>

<mosaic_0001>
#map = affine_map<(d0, d1) -> (0)>
#map1 = affine_map<(d0, d1) -> (0, 0)>
module attributes {stable_mosaic.version = 14 : i64} {
  func.func @gather_kernel(%arg0: i32, %arg1: i32, %arg2: memref<819200xi32, #tpu.memory_space<hbm>>, %arg3: memref<1000000x64xf32, #tpu.memory_space<hbm>>, %arg4: memref<819200x64xf32, #tpu.memory_space<hbm>>, %arg5: memref<25600xi32, #tpu.memory_space<vmem>>, %arg6: memref<2x800x64xf32, #tpu.memory_space<vmem>>, %arg7: memref<!tpu.dma_semaphore, #tpu.memory_space<semaphore_mem>>, %arg8: memref<!tpu.dma_semaphore, #tpu.memory_space<semaphore_mem>>, %arg9: memref<!tpu.dma_semaphore, #tpu.memory_space<semaphore_mem>>) attributes {dimension_semantics = [#tpu.dimension_semantics<core_parallel>, #tpu.dimension_semantics<subcore_parallel>], iteration_bounds = array<i64: 2, 16>, scalar_prefetch = 0 : i64, scratch_operands = 5 : i64, tpu.core_type = #tpu.core_type<sc_vector_subcore>, window_params = [{transform_indices = #map}, {transform_indices = #map1}, {transform_indices = #map1}]} {
    %mul3A = arith.constant 2 : i32
    %mul3A_0 = arith.muli %arg1, %mul3A : i32
    %add3A = arith.addi %mul3A_0, %arg0 : i32
    %mul3A_1 = arith.constant 25600 : i32
    %mul3A_2 = arith.muli %add3A, %mul3A_1 : i32
    %multiple_of3A = tpu.assume_multiple %mul3A_2, 25600 : i32
    "tpu.region"() ({
      %run_scoped3A = tpu.sem_alloc : memref<!tpu.dma_semaphore, #tpu.memory_space<semaphore_mem>>
      %dma_start3A_46 = tpu.memref_slice %arg2[%multiple_of3A] : memref<819200xi32, #tpu.memory_space<hbm>> -> memref<25600xi32, #tpu.memory_space<hbm>>
      %dma_start3A_47 = tpu.memref_slice %arg2[%multiple_of3A] : memref<819200xi32, #tpu.memory_space<hbm>> -> memref<25600xi32, #tpu.memory_space<hbm>>
      tpu.enqueue_dma source(%dma_start3A_47 : memref<25600xi32, #tpu.memory_space<hbm>>) target(%arg5 : memref<25600xi32, #tpu.memory_space<vmem>>) target_semaphore(%run_scoped3A : memref<!tpu.dma_semaphore, #tpu.memory_space<semaphore_mem>>)
      %dma_wait3A_48 = tpu.memref_slice %arg2[%multiple_of3A] : memref<819200xi32, #tpu.memory_space<hbm>> -> memref<25600xi32, #tpu.memory_space<hbm>>
      %dma_wait3A_49 = tpu.memref_slice %arg2[%multiple_of3A] : memref<819200xi32, #tpu.memory_space<hbm>> -> memref<25600xi32, #tpu.memory_space<hbm>>
      tpu.wait_dma2 semaphore(%run_scoped3A : memref<!tpu.dma_semaphore, #tpu.memory_space<semaphore_mem>>) src(%dma_wait3A_49 : memref<25600xi32, #tpu.memory_space<hbm>>) dst(%arg5 : memref<25600xi32, #tpu.memory_space<vmem>>)
      tpu.yield
    }) : () -> ()
    %dma_start3A = arith.constant 0 : i32
    %dma_start3A_3 = arith.constant 0 : i32
    %dma_start3A_4 = arith.constant 0 : i32
    %dma_start3A_5 = tpu.memref_slice %arg6[%dma_start3A, %dma_start3A_3, %dma_start3A_4] : memref<2x800x64xf32, #tpu.memory_space<vmem>> -> memref<1x800x64xf32, #tpu.memory_space<vmem>>
    %dma_start3A_6 = tpu.memref_squeeze %dma_start3A_5 : memref<1x800x64xf32, #tpu.memory_space<vmem>> -> memref<800x64xf32, #tpu.memory_space<vmem>>
    %dma_start3A_7 = arith.constant 0 : i32
    %dma_start3A_8 = tpu.memref_slice %arg5[%dma_start3A_7] : memref<25600xi32, #tpu.memory_space<vmem>> -> memref<800xi32, #tpu.memory_space<vmem>>
    %dma_start3A_9 = arith.constant 0 : i32
    %dma_start3A_10 = arith.constant 0 : i32
    %dma_start3A_11 = tpu.memref_slice %arg3[%dma_start3A_9, %dma_start3A_10] : memref<1000000x64xf32, #tpu.memory_space<hbm>> -> memref<1000000x64xf32, #tpu.memory_space<hbm>>
    tpu.enqueue_indirect_dma source(%dma_start3A_11 : memref<1000000x64xf32, #tpu.memory_space<hbm>>) target(%dma_start3A_6 : memref<800x64xf32, #tpu.memory_space<vmem>>) offsets(%dma_start3A_8 : memref<800xi32, #tpu.memory_space<vmem>>) semaphore(%arg7 : memref<!tpu.dma_semaphore, #tpu.memory_space<semaphore_mem>>)
    %scan3A = arith.constant 0 : i32
    %scan3A_12 = arith.constant 0 : i32
    %scan3A_13 = arith.constant 16 : i32
    %scan3A_14 = arith.addi %scan3A_12, %scan3A_13 : i32
    %scan3A_15 = arith.constant 1 : i32
    scf.for %scan3A_46 = %scan3A_12 to %scan3A_14 step %scan3A_15  : i32 {
      %mul3A_47 = arith.constant 2 : i32
      %mul3A_48 = arith.muli %scan3A_46, %mul3A_47 : i32
      %add3A_49 = arith.constant 0 : i32
      %add3A_50 = arith.addi %mul3A_48, %add3A_49 : i32
      %dma_wait3A_51 = arith.constant 0 : i32
      %dma_wait3A_52 = arith.constant 0 : i32
      %dma_wait3A_53 = arith.constant 0 : i32
      %dma_wait3A_54 = tpu.memref_slice %arg6[%dma_wait3A_51, %dma_wait3A_52, %dma_wait3A_53] : memref<2x800x64xf32, #tpu.memory_space<vmem>> -> memref<1x800x64xf32, #tpu.memory_space<vmem>>
      %dma_wait3A_55 = tpu.memref_squeeze %dma_wait3A_54 : memref<1x800x64xf32, #tpu.memory_space<vmem>> -> memref<800x64xf32, #tpu.memory_space<vmem>>
      %dma_wait3A_56 = arith.constant 0 : i32
      %dma_wait3A_57 = arith.constant 0 : i32
      %dma_wait3A_58 = tpu.memref_slice %arg3[%dma_wait3A_56, %dma_wait3A_57] : memref<1000000x64xf32, #tpu.memory_space<hbm>> -> memref<800x64xf32, #tpu.memory_space<hbm>>
      %dma_wait3A_59 = arith.constant 0 : i32
      %dma_wait3A_60 = arith.constant 0 : i32
      %dma_wait3A_61 = tpu.memref_slice %arg6[%dma_wait3A_51, %dma_wait3A_59, %dma_wait3A_60] : memref<2x800x64xf32, #tpu.memory_space<vmem>> -> memref<1x800x64xf32, #tpu.memory_space<vmem>>
      %dma_wait3A_62 = tpu.memref_squeeze %dma_wait3A_61 : memref<1x800x64xf32, #tpu.memory_space<vmem>> -> memref<800x64xf32, #tpu.memory_space<vmem>>
      %dma_wait3A_63 = arith.constant 0 : i32
      %dma_wait3A_64 = arith.constant 0 : i32
      %dma_wait3A_65 = tpu.memref_slice %arg3[%dma_wait3A_63, %dma_wait3A_64] : memref<1000000x64xf32, #tpu.memory_space<hbm>> -> memref<800x64xf32, #tpu.memory_space<hbm>>
      tpu.wait_dma2 semaphore(%arg7 : memref<!tpu.dma_semaphore, #tpu.memory_space<semaphore_mem>>) src(%dma_wait3A_65 : memref<800x64xf32, #tpu.memory_space<hbm>>) dst(%dma_wait3A_62 : memref<800x64xf32, #tpu.memory_space<vmem>>)
      %add3A_66 = arith.constant 1 : i32
      %add3A_67 = arith.addi %add3A_50, %add3A_66 : i32
      %lt3A = arith.constant 32 : i32
      %lt3A_68 = arith.cmpi slt, %add3A_67, %lt3A : i32
      %convert_element_type3A = arith.extui %lt3A_68 : i1 to i32
      %cond3A = arith.constant 0 : i32
      %cond3A_69 = arith.cmpi ne, %convert_element_type3A, %cond3A : i32
      scf.if %cond3A_69 {
        %ge3A = arith.constant 1 : i32
        %ge3A_130 = arith.cmpi sge, %add3A_50, %ge3A : i32
        %convert_element_type3A_131 = arith.extui %ge3A_130 : i1 to i32
        %cond3A_132 = arith.constant 0 : i32
        %cond3A_133 = arith.cmpi ne, %convert_element_type3A_131, %cond3A_132 : i32
        scf.if %cond3A_133 {
          %dma_wait3A_147 = arith.constant 1 : i32
          %dma_wait3A_148 = arith.constant 0 : i32
          %dma_wait3A_149 = arith.constant 0 : i32
          %dma_wait3A_150 = tpu.memref_slice %arg6[%dma_wait3A_147, %dma_wait3A_148, %dma_wait3A_149] : memref<2x800x64xf32, #tpu.memory_space<vmem>> -> memref<1x800x64xf32, #tpu.memory_space<vmem>>
          %dma_wait3A_151 = tpu.memref_squeeze %dma_wait3A_150 : memref<1x800x64xf32, #tpu.memory_space<vmem>> -> memref<800x64xf32, #tpu.memory_space<vmem>>
          %dma_wait3A_152 = arith.constant 0 : i32
          %dma_wait3A_153 = arith.constant 0 : i32
          %dma_wait3A_154 = tpu.memref_slice %arg3[%dma_wait3A_152, %dma_wait3A_153] : memref<1000000x64xf32, #tpu.memory_space<hbm>> -> memref<800x64xf32, #tpu.memory_space<hbm>>
          %dma_wait3A_155 = arith.constant 0 : i32
          %dma_wait3A_156 = arith.constant 0 : i32
          %dma_wait3A_157 = tpu.memref_slice %arg6[%dma_wait3A_147, %dma_wait3A_155, %dma_wait3A_156] : memref<2x800x64xf32, #tpu.memory_space<vmem>> -> memref<1x800x64xf32, #tpu.memory_space<vmem>>
          %dma_wait3A_158 = tpu.memref_squeeze %dma_wait3A_157 : memref<1x800x64xf32, #tpu.memory_space<vmem>> -> memref<800x64xf32, #tpu.memory_space<vmem>>
          %dma_wait3A_159 = arith.constant 0 : i32
          %dma_wait3A_160 = arith.constant 0 : i32
          %dma_wait3A_161 = tpu.memref_slice %arg3[%dma_wait3A_159, %dma_wait3A_160] : memref<1000000x64xf32, #tpu.memory_space<hbm>> -> memref<800x64xf32, #tpu.memory_space<hbm>>
          tpu.wait_dma2 semaphore(%arg9 : memref<!tpu.dma_semaphore, #tpu.memory_space<semaphore_mem>>) src(%dma_wait3A_161 : memref<800x64xf32, #tpu.memory_space<hbm>>) dst(%dma_wait3A_158 : memref<800x64xf32, #tpu.memory_space<vmem>>)
        } else {
        }
        %add3A_134 = arith.constant 1 : i32
        %add3A_135 = arith.addi %add3A_50, %add3A_134 : i32
        %mul3A_136 = arith.constant 800 : i32
        %mul3A_137 = arith.muli %add3A_135, %mul3A_136 : i32
        %dma_start3A_138 = arith.constant 1 : i32
        %dma_start3A_139 = arith.constant 0 : i32
        %dma_start3A_140 = arith.constant 0 : i32
        %dma_start3A_141 = tpu.memref_slice %arg6[%dma_start3A_138, %dma_start3A_139, %dma_start3A_140] : memref<2x800x64xf32, #tpu.memory_space<vmem>> -> memref<1x800x64xf32, #tpu.memory_space<vmem>>
        %dma_start3A_142 = tpu.memref_squeeze %dma_start3A_141 : memref<1x800x64xf32, #tpu.memory_space<vmem>> -> memref<800x64xf32, #tpu.memory_space<vmem>>
        %dma_start3A_143 = tpu.memref_slice %arg5[%mul3A_137] : memref<25600xi32, #tpu.memory_space<vmem>> -> memref<800xi32, #tpu.memory_space<vmem>>
        %dma_start3A_144 = arith.constant 0 : i32
        %dma_start3A_145 = arith.constant 0 : i32
        %dma_start3A_146 = tpu.memref_slice %arg3[%dma_start3A_144, %dma_start3A_145] : memref<1000000x64xf32, #tpu.memory_space<hbm>> -> memref<1000000x64xf32, #tpu.memory_space<hbm>>
        tpu.enqueue_indirect_dma source(%dma_start3A_146 : memref<1000000x64xf32, #tpu.memory_space<hbm>>) target(%dma_start3A_142 : memref<800x64xf32, #tpu.memory_space<vmem>>) offsets(%dma_start3A_143 : memref<800xi32, #tpu.memory_space<vmem>>) semaphore(%arg8 : memref<!tpu.dma_semaphore, #tpu.memory_space<semaphore_mem>>)
      } else {
      }
      %mul3A_70 = arith.constant 800 : i32
      %mul3A_71 = arith.muli %add3A_50, %mul3A_70 : i32
      %add3A_72 = arith.addi %mul3A_2, %mul3A_71 : i32
      %multiple_of3A_73 = tpu.assume_multiple %add3A_72, 800 : i32
      %dma_start3A_74 = arith.constant 0 : i32
      %dma_start3A_75 = arith.constant 0 : i32
      %dma_start3A_76 = arith.constant 0 : i32
      %dma_start3A_77 = tpu.memref_slice %arg6[%dma_start3A_74, %dma_start3A_75, %dma_start3A_76] : memref<2x800x64xf32, #tpu.memory_space<vmem>> -> memref<1x800x64xf32, #tpu.memory_space<vmem>>
      %dma_start3A_78 = tpu.memref_squeeze %dma_start3A_77 : memref<1x800x64xf32, #tpu.memory_space<vmem>> -> memref<800x64xf32, #tpu.memory_space<vmem>>
      %dma_start3A_79 = arith.constant 0 : i32
      %dma_start3A_80 = tpu.memref_slice %arg4[%multiple_of3A_73, %dma_start3A_79] : memref<819200x64xf32, #tpu.memory_space<hbm>> -> memref<800x64xf32, #tpu.memory_space<hbm>>
      %dma_start3A_81 = arith.constant 0 : i32
      %dma_start3A_82 = tpu.memref_slice %arg4[%multiple_of3A_73, %dma_start3A_81] : memref<819200x64xf32, #tpu.memory_space<hbm>> -> memref<800x64xf32, #tpu.memory_space<hbm>>
      %dma_start3A_83 = arith.constant 0 : i32
      %dma_start3A_84 = arith.constant 0 : i32
      %dma_start3A_85 = tpu.memref_slice %arg6[%dma_start3A_74, %dma_start3A_83, %dma_start3A_84] : memref<2x800x64xf32, #tpu.memory_space<vmem>> -> memref<1x800x64xf32, #tpu.memory_space<vmem>>
      %dma_start3A_86 = tpu.memref_squeeze %dma_start3A_85 : memref<1x800x64xf32, #tpu.memory_space<vmem>> -> memref<800x64xf32, #tpu.memory_space<vmem>>
      tpu.enqueue_dma source(%dma_start3A_86 : memref<800x64xf32, #tpu.memory_space<vmem>>) target(%dma_start3A_82 : memref<800x64xf32, #tpu.memory_space<hbm>>) target_semaphore(%arg9 : memref<!tpu.dma_semaphore, #tpu.memory_space<semaphore_mem>>)
      %mul3A_87 = arith.constant 2 : i32
      %mul3A_88 = arith.muli %scan3A_46, %mul3A_87 : i32
      %add3A_89 = arith.constant 1 : i32
      %add3A_90 = arith.addi %mul3A_88, %add3A_89 : i32
      %dma_wait3A_91 = arith.constant 1 : i32
      %dma_wait3A_92 = arith.constant 0 : i32
      %dma_wait3A_93 = arith.constant 0 : i32
      %dma_wait3A_94 = tpu.memref_slice %arg6[%dma_wait3A_91, %dma_wait3A_92, %dma_wait3A_93] : memref<2x800x64xf32, #tpu.memory_space<vmem>> -> memref<1x800x64xf32, #tpu.memory_space<vmem>>
      %dma_wait3A_95 = tpu.memref_squeeze %dma_wait3A_94 : memref<1x800x64xf32, #tpu.memory_space<vmem>> -> memref<800x64xf32, #tpu.memory_space<vmem>>
      %dma_wait3A_96 = arith.constant 0 : i32
      %dma_wait3A_97 = arith.constant 0 : i32
      %dma_wait3A_98 = tpu.memref_slice %arg3[%dma_wait3A_96, %dma_wait3A_97] : memref<1000000x64xf32, #tpu.memory_space<hbm>> -> memref<800x64xf32, #tpu.memory_space<hbm>>
      %dma_wait3A_99 = arith.constant 0 : i32
      %dma_wait3A_100 = arith.constant 0 : i32
      %dma_wait3A_101 = tpu.memref_slice %arg6[%dma_wait3A_91, %dma_wait3A_99, %dma_wait3A_100] : memref<2x800x64xf32, #tpu.memory_space<vmem>> -> memref<1x800x64xf32, #tpu.memory_space<vmem>>
      %dma_wait3A_102 = tpu.memref_squeeze %dma_wait3A_101 : memref<1x800x64xf32, #tpu.memory_space<vmem>> -> memref<800x64xf32, #tpu.memory_space<vmem>>
      %dma_wait3A_103 = arith.constant 0 : i32
      %dma_wait3A_104 = arith.constant 0 : i32
      %dma_wait3A_105 = tpu.memref_slice %arg3[%dma_wait3A_103, %dma_wait3A_104] : memref<1000000x64xf32, #tpu.memory_space<hbm>> -> memref<800x64xf32, #tpu.memory_space<hbm>>
      tpu.wait_dma2 semaphore(%arg8 : memref<!tpu.dma_semaphore, #tpu.memory_space<semaphore_mem>>) src(%dma_wait3A_105 : memref<800x64xf32, #tpu.memory_space<hbm>>) dst(%dma_wait3A_102 : memref<800x64xf32, #tpu.memory_space<vmem>>)
      %add3A_106 = arith.constant 1 : i32
      %add3A_107 = arith.addi %add3A_90, %add3A_106 : i32
      %lt3A_108 = arith.constant 32 : i32
      %lt3A_109 = arith.cmpi slt, %add3A_107, %lt3A_108 : i32
      %convert_element_type3A_110 = arith.extui %lt3A_109 : i1 to i32
      %cond3A_111 = arith.constant 0 : i32
      %cond3A_112 = arith.cmpi ne, %convert_element_type3A_110, %cond3A_111 : i32
      scf.if %cond3A_112 {
        %ge3A = arith.constant 1 : i32
        %ge3A_130 = arith.cmpi sge, %add3A_90, %ge3A : i32
        %convert_element_type3A_131 = arith.extui %ge3A_130 : i1 to i32
        %cond3A_132 = arith.constant 0 : i32
        %cond3A_133 = arith.cmpi ne, %convert_element_type3A_131, %cond3A_132 : i32
        scf.if %cond3A_133 {
          %dma_wait3A_147 = arith.constant 0 : i32
          %dma_wait3A_148 = arith.constant 0 : i32
          %dma_wait3A_149 = arith.constant 0 : i32
          %dma_wait3A_150 = tpu.memref_slice %arg6[%dma_wait3A_147, %dma_wait3A_148, %dma_wait3A_149] : memref<2x800x64xf32, #tpu.memory_space<vmem>> -> memref<1x800x64xf32, #tpu.memory_space<vmem>>
          %dma_wait3A_151 = tpu.memref_squeeze %dma_wait3A_150 : memref<1x800x64xf32, #tpu.memory_space<vmem>> -> memref<800x64xf32, #tpu.memory_space<vmem>>
          %dma_wait3A_152 = arith.constant 0 : i32
          %dma_wait3A_153 = arith.constant 0 : i32
          %dma_wait3A_154 = tpu.memref_slice %arg3[%dma_wait3A_152, %dma_wait3A_153] : memref<1000000x64xf32, #tpu.memory_space<hbm>> -> memref<800x64xf32, #tpu.memory_space<hbm>>
          %dma_wait3A_155 = arith.constant 0 : i32
          %dma_wait3A_156 = arith.constant 0 : i32
          %dma_wait3A_157 = tpu.memref_slice %arg6[%dma_wait3A_147, %dma_wait3A_155, %dma_wait3A_156] : memref<2x800x64xf32, #tpu.memory_space<vmem>> -> memref<1x800x64xf32, #tpu.memory_space<vmem>>
          %dma_wait3A_158 = tpu.memref_squeeze %dma_wait3A_157 : memref<1x800x64xf32, #tpu.memory_space<vmem>> -> memref<800x64xf32, #tpu.memory_space<vmem>>
          %dma_wait3A_159 = arith.constant 0 : i32
          %dma_wait3A_160 = arith.constant 0 : i32
          %dma_wait3A_161 = tpu.memref_slice %arg3[%dma_wait3A_159, %dma_wait3A_160] : memref<1000000x64xf32, #tpu.memory_space<hbm>> -> memref<800x64xf32, #tpu.memory_space<hbm>>
          tpu.wait_dma2 semaphore(%arg9 : memref<!tpu.dma_semaphore, #tpu.memory_space<semaphore_mem>>) src(%dma_wait3A_161 : memref<800x64xf32, #tpu.memory_space<hbm>>) dst(%dma_wait3A_158 : memref<800x64xf32, #tpu.memory_space<vmem>>)
        } else {
        }
        %add3A_134 = arith.constant 1 : i32
        %add3A_135 = arith.addi %add3A_90, %add3A_134 : i32
        %mul3A_136 = arith.constant 800 : i32
        %mul3A_137 = arith.muli %add3A_135, %mul3A_136 : i32
        %dma_start3A_138 = arith.constant 0 : i32
        %dma_start3A_139 = arith.constant 0 : i32
        %dma_start3A_140 = arith.constant 0 : i32
        %dma_start3A_141 = tpu.memref_slice %arg6[%dma_start3A_138, %dma_start3A_139, %dma_start3A_140] : memref<2x800x64xf32, #tpu.memory_space<vmem>> -> memref<1x800x64xf32, #tpu.memory_space<vmem>>
        %dma_start3A_142 = tpu.memref_squeeze %dma_start3A_141 : memref<1x800x64xf32, #tpu.memory_space<vmem>> -> memref<800x64xf32, #tpu.memory_space<vmem>>
        %dma_start3A_143 = tpu.memref_slice %arg5[%mul3A_137] : memref<25600xi32, #tpu.memory_space<vmem>> -> memref<800xi32, #tpu.memory_space<vmem>>
        %dma_start3A_144 = arith.constant 0 : i32
        %dma_start3A_145 = arith.constant 0 : i32
        %dma_start3A_146 = tpu.memref_slice %arg3[%dma_start3A_144, %dma_start3A_145] : memref<1000000x64xf32, #tpu.memory_space<hbm>> -> memref<1000000x64xf32, #tpu.memory_space<hbm>>
        tpu.enqueue_indirect_dma source(%dma_start3A_146 : memref<1000000x64xf32, #tpu.memory_space<hbm>>) target(%dma_start3A_142 : memref<800x64xf32, #tpu.memory_space<vmem>>) offsets(%dma_start3A_143 : memref<800xi32, #tpu.memory_space<vmem>>) semaphore(%arg7 : memref<!tpu.dma_semaphore, #tpu.memory_space<semaphore_mem>>)
      } else {
      }
      %mul3A_113 = arith.constant 800 : i32
      %mul3A_114 = arith.muli %add3A_90, %mul3A_113 : i32
      %add3A_115 = arith.addi %mul3A_2, %mul3A_114 : i32
      %multiple_of3A_116 = tpu.assume_multiple %add3A_115, 800 : i32
      %dma_start3A_117 = arith.constant 1 : i32
      %dma_start3A_118 = arith.constant 0 : i32
      %dma_start3A_119 = arith.constant 0 : i32
      %dma_start3A_120 = tpu.memref_slice %arg6[%dma_start3A_117, %dma_start3A_118, %dma_start3A_119] : memref<2x800x64xf32, #tpu.memory_space<vmem>> -> memref<1x800x64xf32, #tpu.memory_space<vmem>>
      %dma_start3A_121 = tpu.memref_squeeze %dma_start3A_120 : memref<1x800x64xf32, #tpu.memory_space<vmem>> -> memref<800x64xf32, #tpu.memory_space<vmem>>
      %dma_start3A_122 = arith.constant 0 : i32
      %dma_start3A_123 = tpu.memref_slice %arg4[%multiple_of3A_116, %dma_start3A_122] : memref<819200x64xf32, #tpu.memory_space<hbm>> -> memref<800x64xf32, #tpu.memory_space<hbm>>
      %dma_start3A_124 = arith.constant 0 : i32
      %dma_start3A_125 = tpu.memref_slice %arg4[%multiple_of3A_116, %dma_start3A_124] : memref<819200x64xf32, #tpu.memory_space<hbm>> -> memref<800x64xf32, #tpu.memory_space<hbm>>
      %dma_start3A_126 = arith.constant 0 : i32
      %dma_start3A_127 = arith.constant 0 : i32
      %dma_start3A_128 = tpu.memref_slice %arg6[%dma_start3A_117, %dma_start3A_126, %dma_start3A_127] : memref<2x800x64xf32, #tpu.memory_space<vmem>> -> memref<1x800x64xf32, #tpu.memory_space<vmem>>
      %dma_start3A_129 = tpu.memref_squeeze %dma_start3A_128 : memref<1x800x64xf32, #tpu.memory_space<vmem>> -> memref<800x64xf32, #tpu.memory_space<vmem>>
      tpu.enqueue_dma source(%dma_start3A_129 : memref<800x64xf32, #tpu.memory_space<vmem>>) target(%dma_start3A_125 : memref<800x64xf32, #tpu.memory_space<hbm>>) target_semaphore(%arg9 : memref<!tpu.dma_semaphore, #tpu.memory_space<semaphore_mem>>)
    }
    %scan3A_16 = arith.constant 16 : i32
    %dma_wait3A = arith.constant 0 : i32
    %dma_wait3A_17 = arith.constant 0 : i32
    %dma_wait3A_18 = arith.constant 0 : i32
    %dma_wait3A_19 = tpu.memref_slice %arg6[%dma_wait3A, %dma_wait3A_17, %dma_wait3A_18] : memref<2x800x64xf32, #tpu.memory_space<vmem>> -> memref<1x800x64xf32, #tpu.memory_space<vmem>>
    %dma_wait3A_20 = tpu.memref_squeeze %dma_wait3A_19 : memref<1x800x64xf32, #tpu.memory_space<vmem>> -> memref<800x64xf32, #tpu.memory_space<vmem>>
    %dma_wait3A_21 = arith.constant 0 : i32
    %dma_wait3A_22 = arith.constant 0 : i32
    %dma_wait3A_23 = tpu.memref_slice %arg3[%dma_wait3A_21, %dma_wait3A_22] : memref<1000000x64xf32, #tpu.memory_space<hbm>> -> memref<800x64xf32, #tpu.memory_space<hbm>>
    %dma_wait3A_24 = arith.constant 0 : i32
    %dma_wait3A_25 = arith.constant 0 : i32
    %dma_wait3A_26 = tpu.memref_slice %arg6[%dma_wait3A, %dma_wait3A_24, %dma_wait3A_25] : memref<2x800x64xf32, #tpu.memory_space<vmem>> -> memref<1x800x64xf32, #tpu.memory_space<vmem>>
    %dma_wait3A_27 = tpu.memref_squeeze %dma_wait3A_26 : memref<1x800x64xf32, #tpu.memory_space<vmem>> -> memref<800x64xf32, #tpu.memory_space<vmem>>
    %dma_wait3A_28 = arith.constant 0 : i32
    %dma_wait3A_29 = arith.constant 0 : i32
    %dma_wait3A_30 = tpu.memref_slice %arg3[%dma_wait3A_28, %dma_wait3A_29] : memref<1000000x64xf32, #tpu.memory_space<hbm>> -> memref<800x64xf32, #tpu.memory_space<hbm>>
    tpu.wait_dma2 semaphore(%arg9 : memref<!tpu.dma_semaphore, #tpu.memory_space<semaphore_mem>>) src(%dma_wait3A_30 : memref<800x64xf32, #tpu.memory_space<hbm>>) dst(%dma_wait3A_27 : memref<800x64xf32, #tpu.memory_space<vmem>>)
    %dma_wait3A_31 = arith.constant 1 : i32
    %dma_wait3A_32 = arith.constant 0 : i32
    %dma_wait3A_33 = arith.constant 0 : i32
    %dma_wait3A_34 = tpu.memref_slice %arg6[%dma_wait3A_31, %dma_wait3A_32, %dma_wait3A_33] : memref<2x800x64xf32, #tpu.memory_space<vmem>> -> memref<1x800x64xf32, #tpu.memory_space<vmem>>
    %dma_wait3A_35 = tpu.memref_squeeze %dma_wait3A_34 : memref<1x800x64xf32, #tpu.memory_space<vmem>> -> memref<800x64xf32, #tpu.memory_space<vmem>>
    %dma_wait3A_36 = arith.constant 0 : i32
    %dma_wait3A_37 = arith.constant 0 : i32
    %dma_wait3A_38 = tpu.memref_slice %arg3[%dma_wait3A_36, %dma_wait3A_37] : memref<1000000x64xf32, #tpu.memory_space<hbm>> -> memref<800x64xf32, #tpu.memory_space<hbm>>
    %dma_wait3A_39 = arith.constant 0 : i32
    %dma_wait3A_40 = arith.constant 0 : i32
    %dma_wait3A_41 = tpu.memref_slice %arg6[%dma_wait3A_31, %dma_wait3A_39, %dma_wait3A_40] : memref<2x800x64xf32, #tpu.memory_space<vmem>> -> memref<1x800x64xf32, #tpu.memory_space<vmem>>
    %dma_wait3A_42 = tpu.memref_squeeze %dma_wait3A_41 : memref<1x800x64xf32, #tpu.memory_space<vmem>> -> memref<800x64xf32, #tpu.memory_space<vmem>>
    %dma_wait3A_43 = arith.constant 0 : i32
    %dma_wait3A_44 = arith.constant 0 : i32
    %dma_wait3A_45 = tpu.memref_slice %arg3[%dma_wait3A_43, %dma_wait3A_44] : memref<1000000x64xf32, #tpu.memory_space<hbm>> -> memref<800x64xf32, #tpu.memory_space<hbm>>
    tpu.wait_dma2 semaphore(%arg9 : memref<!tpu.dma_semaphore, #tpu.memory_space<semaphore_mem>>) src(%dma_wait3A_45 : memref<800x64xf32, #tpu.memory_space<hbm>>) dst(%dma_wait3A_42 : memref<800x64xf32, #tpu.memory_space<vmem>>)
    return
  }
}

module attributes {stable_mosaic.version = 14 : i64} {
  func.func @_tc_combine_kernel(%arg0: i32, %arg1: memref<1x1x8192xi32, #tpu.memory_space<vmem>>, %arg2: memref<1x1x8192xi32, #tpu.memory_space<vmem>>, %arg3: memref<8192x128xf32, #tpu.memory_space<vmem>>, %arg4: memref<128x128xbf16, #tpu.memory_space<vmem>>, %arg5: memref<128x32xf32, #tpu.memory_space<vmem>>, %arg6: memref<1x64x16384xf32, #tpu.memory_space<vmem>>) attributes {dimension_semantics = [#tpu.dimension_semantics<arbitrary>], iteration_bounds = array<i64: 50>, scalar_prefetch = 0 : i64, scratch_operands = 0 : i64, tpu.core_type = #tpu.core_type<tc>, window_params = [{transform_indices = @transform_0, window_bounds = array<i64: 1, 1, 8192>}, {transform_indices = @transform_1, window_bounds = array<i64: 1, 1, 8192>}, {transform_indices = @transform_2, window_bounds = array<i64: 8192, 128>}, {pipeline_mode = #tpu.pipeline_mode<synchronous>, transform_indices = @transform_3, window_bounds = array<i64: 128, 128>}, {pipeline_mode = #tpu.pipeline_mode<synchronous>, transform_indices = @transform_4, window_bounds = array<i64: 128, 32>}, {transform_indices = @transform_5, window_bounds = array<i64: 1, 64, 16384>}]} {
    %get3A = arith.constant 0 : index
    %get3A_0 = arith.constant 0 : index
    %get3A_1 = arith.constant 0 : index
    %get3A_2 = vector.load %arg1[%get3A, %get3A_0, %get3A_1] : memref<1x1x8192xi32, #tpu.memory_space<vmem>>, vector<1x1x8192xi32>
    %get3A_3 = vector.shape_cast %get3A_2 : vector<1x1x8192xi32> to vector<8192xi32>
    %get3A_4 = arith.constant 0 : index
    %get3A_5 = arith.constant 0 : index
    %get3A_6 = arith.constant 0 : index
    %get3A_7 = vector.load %arg2[%get3A_4, %get3A_5, %get3A_6] : memref<1x1x8192xi32, #tpu.memory_space<vmem>>, vector<1x1x8192xi32>
    %get3A_8 = vector.shape_cast %get3A_7 : vector<1x1x8192xi32> to vector<8192xi32>
    %iota3A = tpu.iota {dimensions = array<i32: 0>} : vector<32x8192xi32>
    %and3A = arith.constant 1 : i32
    %and3A_9 = vector.broadcast %and3A : i32 to vector<32x8192xi32>
    %and3A_10 = arith.andi %iota3A, %and3A_9 : vector<32x8192xi32>
    %eq3A = arith.constant 0 : i32
    %eq3A_11 = vector.broadcast %eq3A : i32 to vector<32x8192xi32>
    %eq3A_12 = arith.cmpi eq, %and3A_10, %eq3A_11 : vector<32x8192xi32>
    %broadcast_in_dim3A = vector.shape_cast %get3A_3 : vector<8192xi32> to vector<1x8192xi32>
    %broadcast_in_dim3A_13 = vector.shape_cast %get3A_8 : vector<8192xi32> to vector<1x8192xi32>
    %broadcast_in_dim3A_14 = vector.shape_cast %broadcast_in_dim3A : vector<1x8192xi32> to vector<1x8192xi32>
    %broadcast_in_dim3A_15 = vector.broadcast %broadcast_in_dim3A_14 : vector<1x8192xi32> to vector<32x8192xi32>
    %broadcast_in_dim3A_16 = vector.shape_cast %broadcast_in_dim3A_13 : vector<1x8192xi32> to vector<1x8192xi32>
    %broadcast_in_dim3A_17 = vector.broadcast %broadcast_in_dim3A_16 : vector<1x8192xi32> to vector<32x8192xi32>
    %select_n3A = arith.select %eq3A_12, %broadcast_in_dim3A_15, %broadcast_in_dim3A_17 : vector<32x8192xi1>, vector<32x8192xi32>
    %shift_right_arithmetic3A = arith.constant 1 : i32
    %shift_right_arithmetic3A_18 = vector.broadcast %shift_right_arithmetic3A : i32 to vector<32x8192xi32>
    %shift_right_arithmetic3A_19 = arith.shrsi %iota3A, %shift_right_arithmetic3A_18 : vector<32x8192xi32>
    %eq3A_20 = arith.cmpi eq, %shift_right_arithmetic3A_19, %select_n3A : vector<32x8192xi32>
    %convert_element_type3A = arith.extui %eq3A_20 : vector<32x8192xi1> to vector<32x8192xi32>
    %convert_element_type3A_21 = arith.sitofp %convert_element_type3A : vector<32x8192xi32> to vector<32x8192xf32>
    %get3A_22 = arith.constant 0 : index
    %get3A_23 = arith.constant 0 : index
    %get3A_24 = vector.load %arg5[%get3A_22, %get3A_23] : memref<128x32xf32, #tpu.memory_space<vmem>>, vector<128x32xf32>
    %dot_general3A = arith.constant dense<0.000000e+00> : vector<128x8192xf32>
    %dot_general3A_25 = tpu.matmul %get3A_24, %convert_element_type3A_21, %dot_general3A {dimension_numbers = #tpu.dot_dimension_numbers<[1], [0], [0], [1], [0, 0, 1, 1], [], []>, transpose_lhs_hint = false} : vector<128x32xf32>, vector<32x8192xf32>, vector<128x8192xf32> -> vector<128x8192xf32>
    %get3A_26 = arith.constant 0 : index
    %get3A_27 = arith.constant 0 : index
    %get3A_28 = vector.load %arg4[%get3A_26, %get3A_27] : memref<128x128xbf16, #tpu.memory_space<vmem>>, vector<128x128xbf16>
    %get3A_29 = arith.constant 0 : index
    %get3A_30 = arith.constant 0 : index
    %get3A_31 = vector.load %arg3[%get3A_29, %get3A_30] : memref<8192x128xf32, #tpu.memory_space<vmem>>, vector<8192x128xf32>
    %convert_element_type3A_32 = arith.truncf %get3A_31 : vector<8192x128xf32> to vector<8192x128xbf16>
    %dot_general3A_33 = arith.constant dense<0.000000e+00> : vector<128x8192xf32>
    %dot_general3A_34 = tpu.matmul %get3A_28, %convert_element_type3A_32, %dot_general3A_33 {dimension_numbers = #tpu.dot_dimension_numbers<[1], [1], [0], [0], [0, 0, 1, 0], [], []>, transpose_lhs_hint = false} : vector<128x128xbf16>, vector<8192x128xbf16>, vector<128x8192xf32> -> vector<128x8192xf32>
    %add3A = arith.addf %dot_general3A_34, %dot_general3A_25 : vector<128x8192xf32>
    %tanh3A = math.tanh %add3A : vector<128x8192xf32>
    %slice3A = vector.extract_strided_slice %tanh3A {offsets = [0, 0], sizes = [64, 8192], strides = [1, 1]} : vector<128x8192xf32> to vector<64x8192xf32>
    %swap3A = arith.constant 0 : index
    %swap3A_35 = arith.constant 0 : index
    %swap3A_36 = arith.constant 0 : index
    %swap3A_37 = vector.load %arg6[%swap3A, %swap3A_35, %swap3A_36] : memref<1x64x16384xf32, #tpu.memory_space<vmem>>, vector<1x64x8192xf32>
    %swap3A_38 = vector.shape_cast %swap3A_37 : vector<1x64x8192xf32> to vector<64x8192xf32>
    %swap3A_39 = vector.shape_cast %slice3A : vector<64x8192xf32> to vector<1x64x8192xf32>
    tpu.vector_store %arg6[%swap3A, %swap3A_35, %swap3A_36], %swap3A_39 {strides = array<i32>} : memref<1x64x16384xf32, #tpu.memory_space<vmem>>, vector<1x64x8192xf32>,
    %slice3A_40 = vector.extract_strided_slice %tanh3A {offsets = [64, 0], sizes = [64, 8192], strides = [1, 1]} : vector<128x8192xf32> to vector<64x8192xf32>
    %swap3A_41 = arith.constant 0 : index
    %swap3A_42 = arith.constant 0 : index
    %swap3A_43 = arith.constant 8192 : index
    %swap3A_44 = vector.load %arg6[%swap3A_41, %swap3A_42, %swap3A_43] : memref<1x64x16384xf32, #tpu.memory_space<vmem>>, vector<1x64x8192xf32>
    %swap3A_45 = vector.shape_cast %swap3A_44 : vector<1x64x8192xf32> to vector<64x8192xf32>
    %swap3A_46 = vector.shape_cast %slice3A_40 : vector<64x8192xf32> to vector<1x64x8192xf32>
    tpu.vector_store %arg6[%swap3A_41, %swap3A_42, %swap3A_43], %swap3A_46 {strides = array<i32>} : memref<1x64x16384xf32, #tpu.memory_space<vmem>>, vector<1x64x8192xf32>,
    return
  }
  func.func @transform_0(%arg0: i32) -> (i32, i32, i32) {
    %c0_i32 = arith.constant 0 : i32
    %c0_i32_0 = arith.constant 0 : i32
    %c0_i32_1 = arith.constant 0 : i32
    return %arg0, %c0_i32, %c0_i32_0 : i32, i32, i32
  }
  func.func @transform_1(%arg0: i32) -> (i32, i32, i32) {
    %c0_i32 = arith.constant 0 : i32
    %c0_i32_0 = arith.constant 0 : i32
    %c0_i32_1 = arith.constant 0 : i32
    return %arg0, %c0_i32, %c0_i32_0 : i32, i32, i32
  }
  func.func @transform_2(%arg0: i32) -> (i32, i32) {
    %c0_i32 = arith.constant 0 : i32
    %c0_i32_0 = arith.constant 0 : i32
    return %arg0, %c0_i32 : i32, i32
  }
  func.func @transform_3(%arg0: i32) -> (i32, i32) {
    %c0_i32 = arith.constant 0 : i32
    %c0_i32_0 = arith.constant 0 : i32
    %c0_i32_1 = arith.constant 0 : i32
    return %c0_i32, %c0_i32_0 : i32, i32
  }
  func.func @transform_4(%arg0: i32) -> (i32, i32) {
    %c0_i32 = arith.constant 0 : i32
    %c0_i32_0 = arith.constant 0 : i32
    %c0_i32_1 = arith.constant 0 : i32
    return %c0_i32, %c0_i32_0 : i32, i32
  }
  func.func @transform_5(%arg0: i32) -> (i32, i32, i32) {
    %c0_i32 = arith.constant 0 : i32
    %c0_i32_0 = arith.constant 0 : i32
    %c0_i32_1 = arith.constant 0 : i32
    return %arg0, %c0_i32, %c0_i32_0 : i32, i32, i32
  }
}

</mosaic_0001>

<sc_bundles>
// kernel: kernel.4.cloned.1.call-start
scs
__scs_entry_jumppad:
0x0: {  	(pc) =	sbr.rel $0x88, $3  }
0x1: {  	(tag) =	ssettag $0x0;
	lr =	simm.s32 $0x1  }
0x2: {  	[smem:$0x3F99] =	sst lr;
	_ =	strace $0xD0000000  }
0x3: {  	_ = 	snop  }
0x4: {  	_ = 	snop  }
0x5: {  	_ = 	snop  }
0x6: {  	_ = 	snop  }
0x7: {  	_ = 	snop  }
__scs_overlays_trampoline_lowered:
0x8: {  	[smem:$0x3FA8] =	sst s0  }
0x9: {  	[smem:$0x3FA9] =	sst s1  }
0xa: {  	[smem:$0x3FAA] =	sst s2  }
0xb: {  	[smem:$0x3FAB] =	sst s3  }
0xc: {  	[smem:$0x3FAC] =	sst s4  }
0xd: {  	[smem:$0x3FAD] =	sst s5  }
0xe: {  	[smem:$0x3FAE] =	sst s6  }
0xf: {  	[smem:$0x3FAF] =	sst s7  }
0x10: {  	[smem:$0x3FB0] =	sst s8  }
0x11: {  	[smem:$0x3FB1] =	sst s9;
	s0 =	simm.s32 @!p0 $0x0  }
0x12: {  	s1 =	sld [smem:$0x3F97];
	s0 =	simm.s32 @p0 $0x1  }
0x13: {  	[smem:$0x3FB2] =	sst s0;
	s0 =	simm.s32 @!p1 $0x0  }
0x14: {  	s2 =	sld [smem:$0x3F96];
	s0 =	simm.s32 @p1 $0x1  }
0x15: {  	[smem:$0x3FB3] =	sst s0;
	s0 =	simm.s32 @!p2 $0x0  }
0x16: {  	s3 =	sld [smem:$0x3FDB];
	s0 =	simm.s32 @p2 $0x1  }
0x17: {  	s4 =	simm.s32 $0x1BF5;
	[smem:$0x3FB5] =	sst s0  }
0x18: {  	s0 =	sld [smem:$0x3F98];
	_ =	swait.ge [sflag:s4], $0x0  }
0x19: {  	s7 =	sld [smem:$0x3F99]  }
0x1a: {  	s8 =	sadd.s32 $0xFFFFE003, lr  }
0x1b: {  	s9 =	sadd.s32 $0xFFFFFEF7, lr;
	s5 =	simm.s32 $0xFFFFFFFF;
	p2 =	slt.u32 s8, $0xFFFFF086  }
0x1c: {  	p1 =	slt.u32 s9, $0xF7A;
	s5 =	simm.s32 @!p2 $0x0  }
0x1d: {  	s5 =	simm.s32 @p1 $0x1;
	p0 =	seq.s32 s7, s2  }
0x1e: {  	s7 =	smul.u32 @!p0 $0xF7A, s2;
	p2 =	seq.s32 @!p0 s5, $0x0  }
0x1f: {  	s9 =	smul.u32 $0xF7A, s1;
	s8 =	simm.s32 @!p0 $0x1BF5;
	p2 =	por !p2, p0  }
0x20: {  	[sflag:s8] =	ssyncset.s32 @!p0 $0xFFFFF086;
	s6 =	sadd.s32 @!p0 s3, s7;
	s7 =	simm.s32 @!p0 $0x108  }
0x21: {  	s3 =	sadd.s32 s3, s9;
	s6 =	sadd.s32 @!p0 $0x88, s6;
	s7 =	simm.s32 @p2 $0x1082  }
0x22: {  	[simem:s7], [sflag:s8] =	dma.local @!p0 [hbm:s6], $0xF7A  }
0x23: {  	s9 =	sor.u32 $0xD0000000, s2;
	s6 =	simm.s32 $0x108;
	_ =	swait.ge @!p0 [sflag:s8], $0x0  }
0x24: {  	s3 =	sadd.s32 $0x88, s3;
	s6 =	simm.s32 @!p1 $0x1082;
	[sflag:s4] =	ssyncset.s32 $0xFFFFF086  }
0x25: {  	[simem:s6], [sflag:s4] =	dma.local [hbm:s3], $0xF7A  }
0x26: {  	[smem:$0x3F99] =	sst s1;
	(tag) =	ssettag s2;
	_ =	strace s9  }
0x27: {  	s1 =	sld [smem:$0x3FA9]  }
0x28: {  	s2 =	sld [smem:$0x3FAA]  }
0x29: {  	s4 =	sld [smem:$0x3FAC]  }
0x2a: {  	p0 =	seq.s32 s5, $0x0;
	s5 =	sld [smem:$0x3FAD]  }
0x2b: {  	s6 =	sld [smem:$0x3FAE]  }
0x2c: {  	s7 =	sld [smem:$0x3FAF]  }
0x2d: {  	s3 =	simm.s32 $0x108;
	s8 =	sld [smem:$0x3FB0]  }
0x2e: {  	s3 =	simm.s32 @!p0 $0x1082;
	s9 =	sld [smem:$0x3FB1]  }
0x2f: {  	lr =	sadd.s32 s0, s3;
	s0 =	sld [smem:$0x3FA8]  }
0x30: {  	s3 =	sld [smem:$0x3FAB]  }
0x31: {  	[smem:$0x3FB4] =	sst s10  }
0x32: {  	s10 =	sld [smem:$0x3FB2];
	_ =	sdelay $0x3  }
0x33: {  	p0 =	seq.s32 s10, $0x1;
	s10 =	sld [smem:$0x3FB4];
	_ =	sdelay $0x3  }
0x34: {  	[smem:$0x3FB4] =	sst s10  }
0x35: {  	s10 =	sld [smem:$0x3FB3];
	_ =	sdelay $0x3  }
0x36: {  	p1 =	seq.s32 s10, $0x1;
	s10 =	sld [smem:$0x3FB4];
	_ =	sdelay $0x3  }
0x37: {  	[smem:$0x3FB4] =	sst s10  }
0x38: {  	s10 =	sld [smem:$0x3FB5]  }
0x39: {  	_ = 	snop;
	(pc) =	sbr.ind lr, $3  }
0x3a: {  	_ = 	snop  }
0x3b: {  	_ = 	snop  }
0x3c: {  	p2 =	seq.s32 s10, $0x1;
	s10 =	sld [smem:$0x3FB4]  }
0x3d: {  	_ =	shalt  }
0x3e: {  	_ =	shalt  }
0x3f: {  	_ =	shalt  }
0x40: {  	_ =	shalt  }
0x41: {  	_ =	shalt  }
0x42: {  	_ =	shalt  }
0x43: {  	_ =	shalt  }
0x44: {  	_ =	shalt  }
0x45: {  	_ =	shalt  }
0x46: {  	_ =	shalt  }
0x47: {  	_ =	shalt  }
0x48: {  	_ =	shalt  }
0x49: {  	_ =	shalt  }
0x4a: {  	_ =	shalt  }
0x4b: {  	_ =	shalt  }
0x4c: {  	_ =	shalt  }
0x4d: {  	_ =	shalt  }
0x4e: {  	_ =	shalt  }
0x4f: {  	_ =	shalt  }
0x50: {  	_ =	shalt  }
0x51: {  	_ =	shalt  }
0x52: {  	_ =	shalt  }
0x53: {  	_ =	shalt  }
0x54: {  	_ =	shalt  }
0x55: {  	_ =	shalt  }
0x56: {  	_ =	shalt  }
0x57: {  	_ =	shalt  }
0x58: {  	_ =	shalt  }
0x59: {  	_ =	shalt  }
0x5a: {  	_ =	shalt  }
0x5b: {  	_ =	shalt  }
0x5c: {  	_ =	shalt  }
0x5d: {  	_ =	shalt  }
0x5e: {  	_ =	shalt  }
0x5f: {  	_ =	shalt  }
0x60: {  	_ =	shalt  }
0x61: {  	_ =	shalt  }
0x62: {  	_ =	shalt  }
0x63: {  	_ =	shalt  }
0x64: {  	_ =	shalt  }
0x65: {  	_ =	shalt  }
0x66: {  	_ =	shalt  }
0x67: {  	_ =	shalt  }
0x68: {  	_ =	shalt  }
0x69: {  	_ =	shalt  }
0x6a: {  	_ =	shalt  }
0x6b: {  	_ =	shalt  }
0x6c: {  	_ =	shalt  }
0x6d: {  	_ =	shalt  }
0x6e: {  	_ =	shalt  }
0x6f: {  	_ =	shalt  }
0x70: {  	_ =	shalt  }
0x71: {  	_ =	shalt  }
0x72: {  	_ =	shalt  }
0x73: {  	_ =	shalt  }
0x74: {  	_ =	shalt  }
0x75: {  	_ =	shalt  }
0x76: {  	_ =	shalt  }
0x77: {  	_ =	shalt  }
0x78: {  	_ =	shalt  }
0x79: {  	_ =	shalt  }
0x7a: {  	_ =	shalt  }
0x7b: {  	_ =	shalt  }
0x7c: {  	_ =	shalt  }
0x7d: {  	_ =	shalt  }
0x7e: {  	_ =	shalt  }
0x7f: {  	_ =	shalt  }
0x80: {  	_ =	shalt  }
0x81: {  	_ =	shalt  }
0x82: {  	_ =	shalt  }
0x83: {  	_ =	shalt  }
0x84: {  	_ =	shalt  }
0x85: {  	_ =	shalt  }
0x86: {  	_ =	shalt  }
0x87: {  	_ =	shalt  }
.Lfunc_end0:
.L_simem_size_0:
called_computation_lowered:
.L_overlay_start_0:
0x88: {  	s2 =	sld [smem:$0x3FD9]  }
0x89: {  	s3 =	sld [smem:$0x3FFE];
	_ =	sdelay $0x1  }
0x8a: {  	s1 =	srdreg.scid  }
0x8b: {  	s0 =	sand.u32 $0x1, s1  }
0x8c: {  	s16 =	sshll.u32 s0, $0xA;
	s2 =	sadd.s32 s3, s2  }
0x8d: {  	s2 =	sadd.s32 s2, s16  }
0x8e: {  	[smem:$0x3FC0] =	sst s2  }
0x8f: {  	_ = 	snop  }
0x90: {  	(tm) =	ssettm $0x1  }
0x91: {  	s17 =	sld [smem:$0x3FFB];
	_ =	sdelay $0x3  }
0x92: {  	_ =	strace s17  }
0x93: {  	s2 =	sld [smem:$0x3FFC];
	_ =	sdelay $0x3  }
0x94: {  	_ =	strace s2  }
0x95: {  	s2 =	sld [smem:$0x3FFD];
	_ =	sdelay $0x3  }
0x96: {  	_ =	strace s2  }
0x97: {  	_ =	strace $0x8FFFFFFF  }
0x98: {  	s18 =	sld [smem:$0x3FDB];
	_ =	sdelay $0x1  }
0x99: {  	s19 =	simm.s32 $_scs_section_size  }
0x9a: {  	s4 =	simm.s32 $_size__tile_overlayer_lowered;
	s5 =	simm.s32 $_tile_overlayer_lowered  }
0x9b: {  	s22 =	simm.s32 $0x1BFF;
	s21 =	sshll.u32 s5, $0x1;
	s2 =	sadd.s32 s19, s18  }
0x9c: {  	s6 =	simm.s32 $0x0;
	s20 =	sshll.u32 s4, $0x1;
	s4 =	sadd.s32 s21, s2  }
0x9d: {  	[timem:s6], [sflag:s22] =	dma.local [hbm:s4], s20  }
0x9e: {  	_ =	swait.ge [sflag:s22], s20  }
0x9f: {  	s3 =	ssub.s32 $0x0, s20;
	[sflag:s22] =	ssyncset.done $0x0  }
0xa0: {  	[sflag:s22] =	ssyncadd.s32 s3;
	_ =	sdelay $0x1  }
0xa1: {  	s23 =	simm.s32 $0x1B8B  }
0xa2: {  	_ =	swait.ge [sflag:s23], $0x1  }
0xa3: {  	[sflag:s23] =	ssyncset.done $0x0  }
0xa4: {  	s25 =	simm.s32 $0x1B8E;
	s24 =	sld [smem:$0x3FFE];
	[sflag:s23] =	ssyncadd.s32 $0xFFFFFFFF  }
0xa5: {  	s26 =	simm.s32 $execute0_lowered;
	[smem:$0x3FD2] =	sst s25  }
0xa6: {  	s4 =	sshll.u32 s26, $0x1;
	_ =	strace $0x80000046;
	[dreg:$0x1] =	wrdreg $0xFFFFFFFF  }
0xa7: {  	s28 =	simm.s32 $_size_execute0_lowered;
	s2 =	sadd.s32 s2, s4;
	[dreg:$0x0] =	wrdreg $0x0  }
0xa8: {  	s4 =	sshll.u32 s28, $0x1;
	[dreg:$0x2] =	wrdreg s2  }
0xa9: {  	[dreg:$0x3] =	wrdreg s4  }
0xaa: {  	[dreg:$0x4] =	wrdreg $0xC0  }
0xab: {  	_ =	task [dreg:s6], $0x5FFFF  }
0xac: {  	[dreg:$0x1] =	wrdreg $0xFFFFFFFF  }
0xad: {  	[dreg:$0x0] =	wrdreg $0x60  }
0xae: {  	[dreg:$0x2] =	wrdreg s24  }
0xaf: {  	[dreg:$0x3] =	wrdreg $0x9  }
0xb0: {  	_ =	task.clear_ibuf [dreg:s6], $0x4FFFF;
	_ =	strace $0x90000046  }
0xb1: {  	s29 =	simm.s32 $0x9;
	_ =	strace $0x80000048  }
0xb2: {  	_ =	swait.ge [sflag:s29], $0x1  }
0xb3: {  	[sflag:s29] =	ssyncadd.s32 $0xFFFFFFFF  }
0xb4: {  	_ =	strace $0x90000048  }
0xb5: {  	_ =	sfence  }
0xb6: {  	s30 =	sld [smem:$0x0];
	_ =	sdelay $0x2  }
0xb7: {  	s31 =	sshll.u32 s1, $0xD;
	s1 =	sshrl.u32 s1, $0x2  }
0xb8: {  	s3 =	sand.u32 $0x4000, s31;
	s1 =	sadd.s32 s1, s30  }
0xb9: {  	s0 =	sor.u32 s3, s0;
	s1 =	sshll.u32 s1, $0x11  }
0xba: {  	s0 =	sor.u32 s1, s0  }
0xbb: {  	s0 =	sadd.s32 $0x8F2B, s0  }
0xbc: {  	[sflag:s0] =	ssyncadd.remote.s32 $0x1  }
0xbd: {  	_ =	sfence.sel $0xFFFF  }
0xbe: {  	[dreg:$0x0] =	wrdreg $0xFFFFFFFF;
	(pc) =	sbr.abs _section_cstart, $3  }
0xbf: {  	[dreg:$0x1] =	wrdreg $0xFFFFFFFF  }
0xc0: {  	_ =	task.clear_ibuf [dreg:s6], $0x2FFFF;
	_ =	strace $0x9FFFFFFF  }
0xc1: {  	(tm) =	ssettm $0x7FFFFFFF  }
tec
execute0_lowered:
.L_overlay_start_1:
0x0: {  	(tag) =	ssettag $0x1  }
0x1: {  	s1 =	srdreg.scid  }
0x2: {  	s0 =	stileid.u32;
	s4 =	rddreg [dreg:$0x0]  }
0x3: {  	s2 =	simm.s32 $0x0;
	s14 =	simm.s32 $0x6400;
	s15 =	simm.s32 $0x1  }
0x4: {  	s16 =	simm.s32 $0x12C00;
	s17 =	simm.s32 $0x2;
	s18 =	simm.s32 $0x3  }
0x5: {  	s19 =	simm.s32 $0x640;
	s20 =	simm.s32 $0x60E0;
	s29 =	smul.u32 $0xC800, s0  }
0x6: {  	s21 =	simm.s32 $0x0;
	s8 =	sand.u32 $0x1, s1;
	s31 =	smul.u32 $0x64000, s0  }
0x7: {  	s25 =	sshll.u32 s0, $0x1;
	s1 =	rddreg [dreg:$0x1];
	s12 =	smul.u32 $0x6400, s8  }
0x8: {  	[smem:$0x7FF] =	sst s2;
	s5 =	sor.u32 s8, s25;
	s13 =	smul.u32 $0x32000, s8  }
0x9: {  	s10 =	sadd.s32 $0x1A400, s4;
	s9 =	ssub.s32 $0x2, s8;
	s6 =	smul.u32 $0x6400, s5  }
0xa: {  	_ =	strace $0x80000047;
	s26 =	sshrl.u32 s9, $0x1;
	s11 =	smul.u32 $0x32000, s5  }
0xb: {  	s28 =	ssub.s32 s9, s26;
	s9 =	sadd.s32 s12, s29;
	s3 =	sshrl.u32 s6, $0x3  }
0xc: {  	s5 =	smax.u32 s28, $0x1;
	s30 =	sshll.u32 s6, $0x3;
	s6 =	sadd.s32 s10, s11  }
0xd: {  	s11 =	sadd.s32 s31, s10;
	s12 =	sshll.u32 s9, $0x3;
	s7 =	sadd.s32 s3, s4  }
0xe: {  	s3 =	sadd.s32 $0xF43800, s4;
	s8 =	sadd.s32 $0x2EE00, s6;
	s9 =	sadd.s32 $0x30700, s6  }
0xf: {  	s11 =	sadd.s32 s13, s11;
	s12 =	sadd.s32 s10, s12;
	s13 =	simm.s32 $0x320  }
0x10: {  	s4 =	sadd.s32 $0x1400, s7;
	s7 =	sadd.s32 s30, s10;
	s10 =	sadd.s32 $0x3200, s11  }
0x11: {  	s11 =	sadd.s32 $0x4B00, s12;
	s12 =	simm.s32 $0x4;
	s7 =	sadd.s32 $0x1900, s7  }
.LBB2_1:
0x12: {  	[tilespmem:s2], [sflag:$0x4] =	stream.linear.gather [hbm4b:s4+s2], $0x6400, $0x38;
	[tilespmem:$0x1F400] =	vst v63  }
0x13: {  	_ =	swait.ge [sflag:s12], $0x6400  }
0x14: {  	[sflag:s12] =	ssyncset.done $0x0  }
0x15: {  	[sflag:s12] =	ssyncadd.s32 $0xFFFF9C00  }
0x16: {  	[tilespmem:s14], [sflag:$0x1] =	stream.indirect.gather [hbm4b:s3+s13], $0x40, s2, s13, $0xb8;
	[tilespmem:$0x1F400] =	vst v63  }
0x17: {  	_ =	swait.ge [sflag:s15], $0xC800  }
0x18: {  	[sflag:s15] =	ssyncset.done $0x0  }
0x19: {  	[sflag:s15] =	ssyncadd.s32 $0xFFFF3800  }
0x1a: {  	[tilespmem:s16], [sflag:$0x2] =	stream.indirect.gather [hbm4b:s3+s13], $0x40, s13, s13, $0xb8;
	[tilespmem:$0x1F400] =	vst v63  }
0x1b: {  	_ = 	snop  }
0x1c: {  	[hbm4b:s6+s2] =	stream.linear.scatter [tilespmem:s14], [sflag:$0x3], $0xC800, $0x38;
	[tilespmem:$0x1F400] =	vst v63  }
0x1d: {  	_ =	swait.ge [sflag:s17], $0xC800  }
0x1e: {  	[sflag:s17] =	ssyncset.done $0x0  }
0x1f: {  	[sflag:s17] =	ssyncadd.s32 $0xFFFF3800  }
0x20: {  	_ =	swait.ge [sflag:s18], $0xC800  }
0x21: {  	[sflag:s18] =	ssyncset.done $0x0  }
0x22: {  	[sflag:s18] =	ssyncadd.s32 $0xFFFF3800  }
0x23: {  	[tilespmem:s14], [sflag:$0x1] =	stream.indirect.gather [hbm4b:s3+s13], $0x40, s19, s13, $0xb8;
	[tilespmem:$0x1F400] =	vst v63  }
0x24: {  	_ = 	snop  }
0x25: {  	[hbm4b:s7+s2] =	stream.linear.scatter [tilespmem:s16], [sflag:$0x3], $0xC800, $0x38;
	[tilespmem:$0x1F400] =	vst v63  }
0x26: {  	_ =	swait.ge [sflag:s15], $0xC800  }
0x27: {  	[sflag:s15] =	ssyncset.done $0x0  }
0x28: {  	[sflag:s15] =	ssyncadd.s32 $0xFFFF3800  }
0x29: {  	_ =	swait.ge [sflag:s18], $0xC800  }
0x2a: {  	[sflag:s18] =	ssyncset.done $0x0  }
0x2b: {  	s22 =	simm.s32 $0x960;
	[sflag:s18] =	ssyncadd.s32 $0xFFFF3800  }
0x2c: {  	[tilespmem:s16], [sflag:$0x2] =	stream.indirect.gather [hbm4b:s3+s13], $0x40, s22, s13, $0xb8;
	[tilespmem:$0x1F400] =	vst v63  }
0x2d: {  	s30 =	sadd.s32 $0x0, s10  }
0x2e: {  	[hbm4b:s30+s2] =	stream.linear.scatter [tilespmem:s14], [sflag:$0x3], $0xC800, $0x38;
	[tilespmem:$0x1F400] =	vst v63  }
0x2f: {  	_ =	swait.ge [sflag:s17], $0xC800  }
0x30: {  	[sflag:s17] =	ssyncset.done $0x0  }
0x31: {  	[sflag:s17] =	ssyncadd.s32 $0xFFFF3800  }
0x32: {  	_ =	swait.ge [sflag:s18], $0xC800  }
0x33: {  	s31 =	simm.s32 $0xC80;
	s24 =	sadd.s32 $0x0, s11;
	[sflag:s18] =	ssyncset.done $0x0  }
0x34: {  	s23 =	simm.s32 $0x12C0;
	s22 =	simm.s32 $0x3200;
	[sflag:s18] =	ssyncadd.s32 $0xFFFF3800  }
0x35: {  	[tilespmem:s14], [sflag:$0x1] =	stream.indirect.gather [hbm4b:s3+s13], $0x40, s31, s13, $0xb8;
	[tilespmem:$0x1F400] =	vst v63  }
.LBB2_2:
0x36: {  	[hbm4b:s24+s2] =	stream.linear.scatter [tilespmem:s16], [sflag:$0x3], $0xC800, $0x38;
	[tilespmem:$0x1F400] =	vst v63  }
0x37: {  	s24 =	smov.u32 s22  }
0x38: {  	p0 =	sne.s32 s22, $0x28A00;
	s22 =	sadd.s32 $0x3200, s22;
	_ =	swait.ge [sflag:s15], $0xC800  }
0x39: {  	[sflag:s15] =	ssyncset.done $0x0  }
0x3a: {  	[sflag:s15] =	ssyncadd.s32 $0xFFFF3800  }
0x3b: {  	_ =	swait.ge [sflag:s18], $0xC800  }
0x3c: {  	[sflag:s18] =	ssyncset.done $0x0  }
0x3d: {  	s25 =	sadd.s32 $0xFFFFFCE0, s23;
	[sflag:s18] =	ssyncadd.s32 $0xFFFF3800  }
0x3e: {  	[tilespmem:s16], [sflag:$0x2] =	stream.indirect.gather [hbm4b:s3+s13], $0x40, s25, s13, $0xb8;
	[tilespmem:$0x1F400] =	vst v63  }
0x3f: {  	s25 =	sadd.s32 s24, s10  }
0x40: {  	[hbm4b:s25+s2] =	stream.linear.scatter [tilespmem:s14], [sflag:$0x3], $0xC800, $0x38;
	[tilespmem:$0x1F400] =	vst v63  }
0x41: {  	_ =	swait.ge [sflag:s17], $0xC800  }
0x42: {  	[sflag:s17] =	ssyncset.done $0x0  }
0x43: {  	[sflag:s17] =	ssyncadd.s32 $0xFFFF3800  }
.Ltmp0:
0x44: {  	_ =	swait.ge [sflag:s18], $0xC800;
	(pc) =	sbr.rel @p0 .LBB2_2-.Ltmp0, $4  }
0x45: {  	[sflag:s18] =	ssyncset.done $0x0  }
0x46: {  	[sflag:s18] =	ssyncadd.s32 $0xFFFF3800  }
0x47: {  	[tilespmem:s14], [sflag:$0x1] =	stream.indirect.gather [hbm4b:s3+s13], $0x40, s23, s13, $0xb8;
	[tilespmem:$0x1F400] =	vst v63  }
0x48: {  	s24 =	sadd.s32 s24, s11;
	s23 =	sadd.s32 $0x640, s23  }
0x49: {  	[hbm4b:s24+s2] =	stream.linear.scatter [tilespmem:s16], [sflag:$0x3], $0xC800, $0x38;
	[tilespmem:$0x1F400] =	vst v63  }
0x4a: {  	_ =	swait.ge [sflag:s15], $0xC800  }
0x4b: {  	[sflag:s15] =	ssyncset.done $0x0  }
0x4c: {  	[sflag:s15] =	ssyncadd.s32 $0xFFFF3800  }
0x4d: {  	_ =	swait.ge [sflag:s18], $0xC800  }
0x4e: {  	[sflag:s18] =	ssyncset.done $0x0  }
0x4f: {  	[sflag:s18] =	ssyncadd.s32 $0xFFFF3800  }
0x50: {  	[tilespmem:s16], [sflag:$0x2] =	stream.indirect.gather [hbm4b:s3+s13], $0x40, s20, s13, $0xb8;
	[tilespmem:$0x1F400] =	vst v63  }
0x51: {  	_ = 	snop  }
0x52: {  	[hbm4b:s8+s2] =	stream.linear.scatter [tilespmem:s14], [sflag:$0x3], $0xC800, $0x38;
	[tilespmem:$0x1F400] =	vst v63  }
0x53: {  	_ =	swait.ge [sflag:s17], $0xC800  }
0x54: {  	[sflag:s17] =	ssyncset.done $0x0  }
0x55: {  	s21 =	sadd.s32 $0x1, s21;
	[sflag:s17] =	ssyncadd.s32 $0xFFFF3800  }
0x56: {  	[hbm4b:s9+s2] =	stream.linear.scatter [tilespmem:s16], [sflag:$0x3], $0xC800, $0x38;
	[tilespmem:$0x1F400] =	vst v63  }
0x57: {  	p0 =	sne.s32 s21, s5;
	_ =	swait.ge [sflag:s18], $0xC800  }
.Ltmp1:
0x58: {  	[sflag:s18] =	ssyncset.done $0x0;
	(pc) =	sbr.rel @p0 .LBB2_1-.Ltmp1, $4  }
0x59: {  	[sflag:s18] =	ssyncadd.s32 $0xFFFF3800  }
0x5a: {  	_ =	swait.ge [sflag:s18], $0xC800  }
0x5b: {  	[sflag:s18] =	ssyncset.done $0x0  }
0x5c: {  	[sflag:s18] =	ssyncadd.s32 $0xFFFF3800  }
0x5d: {  	_ =	sfence.sel $0x180000  }
0x5e: {  	[bflag:$0x0] =	sbarrier.arrive $0xFFFF  }
0x5f: {  	p0 =	sne.s32 s0, $0x0;
	_ =	strace $0x90000047  }
0x60: {  	s0 =	sadd.s32 @!p0 $0x100000, s1;
	[bflag:$0x2] =	sbarrier.arrive $0xFFFF  }
0x61: {  	[sflag:s0] =	ssyncadd.tile.s32 @!p0 $0x1;
	_ =	shalt  }
.Lfunc_end2:
_tile_overlayer_lowered:
.L_overlay_start_2:
0x62: {  	(tag) =	ssettag $0x2  }
0x63: {  	s0 =	rddreg [dreg:$0x0];
	s2 =	stileid.u32  }
0x64: {  	s1 =	rddreg [dreg:$0x1];
	p0 =	sne.s32 s2, $0x0  }
0x65: {  	s3 =	rddreg [dreg:$0x2];
	[bflag:$0x3] =	sbarrier.arrive $0xFFFF;
	s2 =	simm.s32 @!p0 $0x1C04  }
0x66: {  	[timem:s3], [sflag:s2] =	dma.local @!p0 [hbm:s0], s1  }
0x67: {  	s0 =	simm.s32 @!p0 $0x4  }
0x68: {  	_ =	swait.ge @!p0 [sflag:s0], s1  }
0x69: {  	s1 =	ssub.s32 @!p0 $0x0, s1;
	[sflag:s0] =	ssyncset.done @!p0 $0x0  }
0x6a: {  	[sflag:s0] =	ssyncadd.s32 @!p0 s1  }
0x6b: {  	[bflag:$0x3] =	sbarrier.arrive $0xFFFF  }
0x6c: {  	_ =	shalt  }

</sc_bundles>
